<compile_context>
chip_gen: v7x
topology: tpu7x:2x2x1
jax: 0.10.2.dev20260603
libtpu: 0.0.44.dev20260713+nightly
codegen_flags: <defaults>
</compile_context>

<pallas_src>
import jax
import jax.numpy as jnp
from jax import lax
from jax.experimental import pallas as pl
from jax.experimental.pallas import tpu as pltpu
from jax.experimental.pallas import tpu_sc as plsc

NUM_FIELDS = 26
VOCAB = 100000
DIM = 64
BATCH = 16384
R = NUM_FIELDS * DIM

_NC, _NS = 2, 16
NW = _NC * _NS
ROWS_PER_W = R // NW
OUT_CHUNK = BATCH // 2
VEC = 16
UNROLL = 8


def _body(p_hbm, idx_hbm, out_hbm, row_v, idx_v, out_v, sem):
    wid = lax.axis_index("s") * _NC + lax.axis_index("c")
    r0 = wid * ROWS_PER_W
    n_chunk = BATCH // OUT_CHUNK

    def do_row(i, prev_f):
        r = r0 + i
        f = r // DIM

        @pl.when(jnp.logical_or(i == 0, f != prev_f))
        def _():
            pltpu.sync_copy(idx_hbm.at[f], idx_v)

        pltpu.sync_copy(p_hbm.at[r], row_v)

        for h in range(n_chunk):
            def gather_step(j, _):
                base = h * OUT_CHUNK + j * (VEC * UNROLL)
                ivs = [idx_v[pl.ds(base + u * VEC, VEC)] for u in range(UNROLL)]
                gs = [plsc.load_gather(row_v, [iv]) for iv in ivs]
                for u in range(UNROLL):
                    out_v[pl.ds(j * (VEC * UNROLL) + u * VEC, VEC)] = gs[u]
                return 0

            lax.fori_loop(0, OUT_CHUNK // (VEC * UNROLL), gather_step, 0)
            pltpu.sync_copy(out_v, out_hbm.at[r, pl.ds(h * OUT_CHUNK, OUT_CHUNK)])
        return f

    lax.fori_loop(0, ROWS_PER_W, do_row, jnp.int32(-1))


def kernel(indices, tables):
    p = jnp.transpose(tables, (0, 2, 1)).reshape(R, VOCAB)
    idx_t = jnp.transpose(indices.astype(jnp.int32), (1, 0))

    mesh = plsc.VectorSubcoreMesh(core_axis_name="c", subcore_axis_name="s")
    out_t = pl.kernel(
        _body,
        out_type=jax.ShapeDtypeStruct((R, BATCH), jnp.float32),
        mesh=mesh,
        scratch_types=[
            pltpu.VMEM((VOCAB,), jnp.float32),
            pltpu.VMEM((BATCH,), jnp.int32),
            pltpu.VMEM((OUT_CHUNK,), jnp.float32),
            pltpu.SemaphoreType.DMA,
        ],
        compiler_params=pltpu.CompilerParams(needs_layout_passes=False),
    )(p, idx_t)
    return out_t.T.reshape(BATCH, NUM_FIELDS * DIM)

# --- scband reference (transcript-rebuilt; emitter-appended) ---
"""Pipeline reference for scband-embedding-module-85770496901399 (READ-ONLY COPY).

The authoritative reference and input builder live on the scoring server;
editing this copy changes nothing except your own understanding.
"""

import jax, jax.numpy as jnp
import numpy as np

NUM_FIELDS = 26
VOCAB = 100000
DIM = 64
BATCH = 16384

def setup_inputs(seed: int = 0) -> dict:
    key = jax.random.key(seed)
    k1, k2 = jax.random.split(key)
    indices = jax.random.randint(k1, (BATCH, NUM_FIELDS), 0, VOCAB)
    # Learned parameters: one embedding table per sparse field, all [VOCAB, DIM],
    # stacked into a single [NUM_FIELDS, VOCAB, DIM] tensor (ModuleList of nn.Embedding).
    tables = jax.random.normal(k2, (NUM_FIELDS, VOCAB, DIM), dtype=jnp.float32) * 0.01
    return {"indices": indices, "tables": tables}

def reference(indices, tables):
    # Per-field embedding lookup (nn.Embedding per field), then concat along feature dim.
    # tables[f]: [VOCAB, DIM], indices[:, f]: [BATCH] -> [BATCH, DIM]
    embs = jax.vmap(lambda tbl, idx: jnp.take(tbl, idx, axis=0), in_axes=(0, 1), out_axes=1)(tables, indices)
    # embs: [BATCH, NUM_FIELDS, DIM] -> concat of fields: [BATCH, NUM_FIELDS * DIM]
    return embs.reshape(indices.shape[0], -1)

if __name__ == "__main__":
    import jax
    _d = setup_inputs()
    print(jax.jit(kernel)(*tuple(_d.values())))

</pallas_src>

<mosaic_0001>
#map = affine_map<(d0, d1) -> (0, 0)>
module attributes {stable_mosaic.version = 14 : i64} {
  func.func @_body(%arg0: i32, %arg1: i32, %arg2: memref<1664x100000xf32, #tpu.memory_space<hbm>>, %arg3: memref<26x16384xi32, #tpu.memory_space<hbm>>, %arg4: memref<1664x16384xf32, #tpu.memory_space<hbm>>, %arg5: memref<100000xf32, #tpu.memory_space<vmem>>, %arg6: memref<16384xi32, #tpu.memory_space<vmem>>, %arg7: memref<8192xf32, #tpu.memory_space<vmem>>, %arg8: memref<!tpu.dma_semaphore, #tpu.memory_space<semaphore_mem>>) attributes {dimension_semantics = [#tpu.dimension_semantics<core_parallel>, #tpu.dimension_semantics<subcore_parallel>], iteration_bounds = array<i64: 2, 16>, scalar_prefetch = 0 : i64, scratch_operands = 4 : i64, tpu.core_type = #tpu.core_type<sc_vector_subcore>, window_params = [{transform_indices = #map}, {transform_indices = #map}, {transform_indices = #map}]} {
    %mul3A = arith.constant 2 : i32
    %mul3A_0 = arith.muli %arg1, %mul3A : i32
    %add3A = arith.addi %mul3A_0, %arg0 : i32
    %mul3A_1 = arith.constant 52 : i32
    %mul3A_2 = arith.muli %add3A, %mul3A_1 : i32
    %scan3A = arith.constant -1 : i32
    %scan3A_3 = arith.constant 0 : i32
    %scan3A_4 = arith.constant 52 : i32
    %scan3A_5 = arith.addi %scan3A_3, %scan3A_4 : i32
    %scan3A_6 = arith.constant 1 : i32
    %scan3A_7 = scf.for %scan3A_9 = %scan3A_3 to %scan3A_5 step %scan3A_6 iter_args(%scan3A_10 = %scan3A) -> (i32)  : i32 {
      %add3A_11 = arith.addi %mul3A_2, %scan3A_9 : i32
      %jit3A = arith.constant 64 : i32
      %div3A = arith.divsi %add3A_11, %jit3A : i32
      %sign3A = arith.constant 0 : i32
      %sign3A_12 = arith.cmpi sgt, %add3A_11, %sign3A : i32
      %sign3A_13 = arith.extui %sign3A_12 : i1 to i32
      %sign3A_14 = arith.constant 0 : i32
      %sign3A_15 = arith.cmpi slt, %add3A_11, %sign3A_14 : i32
      %sign3A_16 = arith.extui %sign3A_15 : i1 to i32
      %sign3A_17 = arith.subi %sign3A_13, %sign3A_16 : i32
      %sign3A_18 = arith.constant 0 : i32
      %sign3A_19 = arith.cmpi sgt, %jit3A, %sign3A_18 : i32
      %sign3A_20 = arith.extui %sign3A_19 : i1 to i32
      %sign3A_21 = arith.constant 0 : i32
      %sign3A_22 = arith.cmpi slt, %jit3A, %sign3A_21 : i32
      %sign3A_23 = arith.extui %sign3A_22 : i1 to i32
      %sign3A_24 = arith.subi %sign3A_20, %sign3A_23 : i32
      %ne3A = arith.cmpi ne, %sign3A_17, %sign3A_24 : i32
      %rem3A = arith.remsi %add3A_11, %jit3A : i32
      %ne3A_25 = arith.constant 0 : i32
      %ne3A_26 = arith.cmpi ne, %rem3A, %ne3A_25 : i32
      %and3A = arith.andi %ne3A, %ne3A_26 : i1
      %sub3A = arith.constant 1 : i32
      %sub3A_27 = arith.subi %div3A, %sub3A : i32
      %select_n3A = arith.select %and3A, %sub3A_27, %div3A : i32
      %eq3A = arith.constant 0 : i32
      %eq3A_28 = arith.cmpi eq, %scan3A_9, %eq3A : i32
      %ne3A_29 = arith.cmpi ne, %select_n3A, %scan3A_10 : i32
      %or3A = arith.ori %eq3A_28, %ne3A_29 : i1
      %convert_element_type3A = arith.extui %or3A : i1 to i32
      %cond3A = arith.constant 0 : i32
      %cond3A_30 = arith.cmpi ne, %convert_element_type3A, %cond3A : i32
      scf.if %cond3A_30 {
        "tpu.region"() ({
          %run_scoped3A = tpu.sem_alloc : memref<!tpu.dma_semaphore, #tpu.memory_space<semaphore_mem>>
          %dma_start3A = arith.constant 0 : i32
          %dma_start3A_45 = tpu.memref_slice %arg3[%select_n3A, %dma_start3A] : memref<26x16384xi32, #tpu.memory_space<hbm>> -> memref<1x16384xi32, #tpu.memory_space<hbm>>
          %dma_start3A_46 = tpu.memref_squeeze %dma_start3A_45 : memref<1x16384xi32, #tpu.memory_space<hbm>> -> memref<16384xi32, #tpu.memory_space<hbm>>
          %dma_start3A_47 = arith.constant 0 : i32
          %dma_start3A_48 = tpu.memref_slice %arg3[%select_n3A, %dma_start3A_47] : memref<26x16384xi32, #tpu.memory_space<hbm>> -> memref<1x16384xi32, #tpu.memory_space<hbm>>
          %dma_start3A_49 = tpu.memref_squeeze %dma_start3A_48 : memref<1x16384xi32, #tpu.memory_space<hbm>> -> memref<16384xi32, #tpu.memory_space<hbm>>
          tpu.enqueue_dma source(%dma_start3A_49 : memref<16384xi32, #tpu.memory_space<hbm>>) target(%arg6 : memref<16384xi32, #tpu.memory_space<vmem>>) target_semaphore(%run_scoped3A : memref<!tpu.dma_semaphore, #tpu.memory_space<semaphore_mem>>)
          %dma_wait3A = arith.constant 0 : i32
          %dma_wait3A_50 = tpu.memref_slice %arg3[%select_n3A, %dma_wait3A] : memref<26x16384xi32, #tpu.memory_space<hbm>> -> memref<1x16384xi32, #tpu.memory_space<hbm>>
          %dma_wait3A_51 = tpu.memref_squeeze %dma_wait3A_50 : memref<1x16384xi32, #tpu.memory_space<hbm>> -> memref<16384xi32, #tpu.memory_space<hbm>>
          %dma_wait3A_52 = arith.constant 0 : i32
          %dma_wait3A_53 = tpu.memref_slice %arg3[%select_n3A, %dma_wait3A_52] : memref<26x16384xi32, #tpu.memory_space<hbm>> -> memref<1x16384xi32, #tpu.memory_space<hbm>>
          %dma_wait3A_54 = tpu.memref_squeeze %dma_wait3A_53 : memref<1x16384xi32, #tpu.memory_space<hbm>> -> memref<16384xi32, #tpu.memory_space<hbm>>
          tpu.wait_dma2 semaphore(%run_scoped3A : memref<!tpu.dma_semaphore, #tpu.memory_space<semaphore_mem>>) src(%dma_wait3A_54 : memref<16384xi32, #tpu.memory_space<hbm>>) dst(%arg6 : memref<16384xi32, #tpu.memory_space<vmem>>)
          tpu.yield
        }) : () -> ()
      } else {
      }
      "tpu.region"() ({
        %run_scoped3A = tpu.sem_alloc : memref<!tpu.dma_semaphore, #tpu.memory_space<semaphore_mem>>
        %dma_start3A = arith.constant 0 : i32
        %dma_start3A_45 = tpu.memref_slice %arg2[%add3A_11, %dma_start3A] : memref<1664x100000xf32, #tpu.memory_space<hbm>> -> memref<1x100000xf32, #tpu.memory_space<hbm>>
        %dma_start3A_46 = tpu.memref_squeeze %dma_start3A_45 : memref<1x100000xf32, #tpu.memory_space<hbm>> -> memref<100000xf32, #tpu.memory_space<hbm>>
        %dma_start3A_47 = arith.constant 0 : i32
        %dma_start3A_48 = tpu.memref_slice %arg2[%add3A_11, %dma_start3A_47] : memref<1664x100000xf32, #tpu.memory_space<hbm>> -> memref<1x100000xf32, #tpu.memory_space<hbm>>
        %dma_start3A_49 = tpu.memref_squeeze %dma_start3A_48 : memref<1x100000xf32, #tpu.memory_space<hbm>> -> memref<100000xf32, #tpu.memory_space<hbm>>
        tpu.enqueue_dma source(%dma_start3A_49 : memref<100000xf32, #tpu.memory_space<hbm>>) target(%arg5 : memref<100000xf32, #tpu.memory_space<vmem>>) target_semaphore(%run_scoped3A : memref<!tpu.dma_semaphore, #tpu.memory_space<semaphore_mem>>)
        %dma_wait3A = arith.constant 0 : i32
        %dma_wait3A_50 = tpu.memref_slice %arg2[%add3A_11, %dma_wait3A] : memref<1664x100000xf32, #tpu.memory_space<hbm>> -> memref<1x100000xf32, #tpu.memory_space<hbm>>
        %dma_wait3A_51 = tpu.memref_squeeze %dma_wait3A_50 : memref<1x100000xf32, #tpu.memory_space<hbm>> -> memref<100000xf32, #tpu.memory_space<hbm>>
        %dma_wait3A_52 = arith.constant 0 : i32
        %dma_wait3A_53 = tpu.memref_slice %arg2[%add3A_11, %dma_wait3A_52] : memref<1664x100000xf32, #tpu.memory_space<hbm>> -> memref<1x100000xf32, #tpu.memory_space<hbm>>
        %dma_wait3A_54 = tpu.memref_squeeze %dma_wait3A_53 : memref<1x100000xf32, #tpu.memory_space<hbm>> -> memref<100000xf32, #tpu.memory_space<hbm>>
        tpu.wait_dma2 semaphore(%run_scoped3A : memref<!tpu.dma_semaphore, #tpu.memory_space<semaphore_mem>>) src(%dma_wait3A_54 : memref<100000xf32, #tpu.memory_space<hbm>>) dst(%arg5 : memref<100000xf32, #tpu.memory_space<vmem>>)
        tpu.yield
      }) : () -> ()
      %scan3A_31 = arith.constant 0 : i32
      %scan3A_32 = arith.constant 0 : i32
      %scan3A_33 = arith.constant 64 : i32
      %scan3A_34 = arith.addi %scan3A_32, %scan3A_33 : i32
      %scan3A_35 = arith.constant 1 : i32
      %scan3A_36 = scf.for %scan3A_45 = %scan3A_32 to %scan3A_34 step %scan3A_35 iter_args(%scan3A_46 = %scan3A_31) -> (i32)  : i32 {
        %mul3A_47 = arith.constant 128 : i32
        %mul3A_48 = arith.muli %scan3A_45, %mul3A_47 : i32
        %add3A_49 = arith.constant 0 : i32
        %add3A_50 = arith.addi %add3A_49, %mul3A_48 : i32
        %add3A_51 = arith.constant 0 : i32
        %add3A_52 = arith.addi %add3A_50, %add3A_51 : i32
        %get3A = arith.index_cast %add3A_52 : i32 to index
        %get3A_53 = tpu.vector_load %arg6[%get3A] {strides = array<i32>} : memref<16384xi32, #tpu.memory_space<vmem>>, vector<16xi32>,
        %add3A_54 = arith.constant 16 : i32
        %add3A_55 = arith.addi %add3A_50, %add3A_54 : i32
        %get3A_56 = arith.index_cast %add3A_55 : i32 to index
        %get3A_57 = tpu.vector_load %arg6[%get3A_56] {strides = array<i32>} : memref<16384xi32, #tpu.memory_space<vmem>>, vector<16xi32>,
        %add3A_58 = arith.constant 32 : i32
        %add3A_59 = arith.addi %add3A_50, %add3A_58 : i32
        %get3A_60 = arith.index_cast %add3A_59 : i32 to index
        %get3A_61 = tpu.vector_load %arg6[%get3A_60] {strides = array<i32>} : memref<16384xi32, #tpu.memory_space<vmem>>, vector<16xi32>,
        %add3A_62 = arith.constant 48 : i32
        %add3A_63 = arith.addi %add3A_50, %add3A_62 : i32
        %get3A_64 = arith.index_cast %add3A_63 : i32 to index
        %get3A_65 = tpu.vector_load %arg6[%get3A_64] {strides = array<i32>} : memref<16384xi32, #tpu.memory_space<vmem>>, vector<16xi32>,
        %add3A_66 = arith.constant 64 : i32
        %add3A_67 = arith.addi %add3A_50, %add3A_66 : i32
        %get3A_68 = arith.index_cast %add3A_67 : i32 to index
        %get3A_69 = tpu.vector_load %arg6[%get3A_68] {strides = array<i32>} : memref<16384xi32, #tpu.memory_space<vmem>>, vector<16xi32>,
        %add3A_70 = arith.constant 80 : i32
        %add3A_71 = arith.addi %add3A_50, %add3A_70 : i32
        %get3A_72 = arith.index_cast %add3A_71 : i32 to index
        %get3A_73 = tpu.vector_load %arg6[%get3A_72] {strides = array<i32>} : memref<16384xi32, #tpu.memory_space<vmem>>, vector<16xi32>,
        %add3A_74 = arith.constant 96 : i32
        %add3A_75 = arith.addi %add3A_50, %add3A_74 : i32
        %get3A_76 = arith.index_cast %add3A_75 : i32 to index
        %get3A_77 = tpu.vector_load %arg6[%get3A_76] {strides = array<i32>} : memref<16384xi32, #tpu.memory_space<vmem>>, vector<16xi32>,
        %add3A_78 = arith.constant 112 : i32
        %add3A_79 = arith.addi %add3A_50, %add3A_78 : i32
        %get3A_80 = arith.index_cast %add3A_79 : i32 to index
        %get3A_81 = tpu.vector_load %arg6[%get3A_80] {strides = array<i32>} : memref<16384xi32, #tpu.memory_space<vmem>>, vector<16xi32>,
        %gather3A = tpu.vector_load_idx %arg5[%get3A_53] : memref<100000xf32, #tpu.memory_space<vmem>>[vector<16xi32>], vector<16xf32>,
        %gather3A_82 = tpu.vector_load_idx %arg5[%get3A_57] : memref<100000xf32, #tpu.memory_space<vmem>>[vector<16xi32>], vector<16xf32>,
        %gather3A_83 = tpu.vector_load_idx %arg5[%get3A_61] : memref<100000xf32, #tpu.memory_space<vmem>>[vector<16xi32>], vector<16xf32>,
        %gather3A_84 = tpu.vector_load_idx %arg5[%get3A_65] : memref<100000xf32, #tpu.memory_space<vmem>>[vector<16xi32>], vector<16xf32>,
        %gather3A_85 = tpu.vector_load_idx %arg5[%get3A_69] : memref<100000xf32, #tpu.memory_space<vmem>>[vector<16xi32>], vector<16xf32>,
        %gather3A_86 = tpu.vector_load_idx %arg5[%get3A_73] : memref<100000xf32, #tpu.memory_space<vmem>>[vector<16xi32>], vector<16xf32>,
        %gather3A_87 = tpu.vector_load_idx %arg5[%get3A_77] : memref<100000xf32, #tpu.memory_space<vmem>>[vector<16xi32>], vector<16xf32>,
        %gather3A_88 = tpu.vector_load_idx %arg5[%get3A_81] : memref<100000xf32, #tpu.memory_space<vmem>>[vector<16xi32>], vector<16xf32>,
        %mul3A_89 = arith.constant 128 : i32
        %mul3A_90 = arith.muli %scan3A_45, %mul3A_89 : i32
        %add3A_91 = arith.constant 0 : i32
        %add3A_92 = arith.addi %mul3A_90, %add3A_91 : i32
        %swap3A = arith.index_cast %add3A_92 : i32 to index
        %swap3A_93 = tpu.vector_load %arg7[%swap3A] {strides = array<i32>} : memref<8192xf32, #tpu.memory_space<vmem>>, vector<16xf32>,
        tpu.vector_store %arg7[%swap3A], %gather3A {strides = array<i32>} : memref<8192xf32, #tpu.memory_space<vmem>>, vector<16xf32>,
        %mul3A_94 = arith.constant 128 : i32
        %mul3A_95 = arith.muli %scan3A_45, %mul3A_94 : i32
        %add3A_96 = arith.constant 16 : i32
        %add3A_97 = arith.addi %mul3A_95, %add3A_96 : i32
        %swap3A_98 = arith.index_cast %add3A_97 : i32 to index
        %swap3A_99 = tpu.vector_load %arg7[%swap3A_98] {strides = array<i32>} : memref<8192xf32, #tpu.memory_space<vmem>>, vector<16xf32>,
        tpu.vector_store %arg7[%swap3A_98], %gather3A_82 {strides = array<i32>} : memref<8192xf32, #tpu.memory_space<vmem>>, vector<16xf32>,
        %mul3A_100 = arith.constant 128 : i32
        %mul3A_101 = arith.muli %scan3A_45, %mul3A_100 : i32
        %add3A_102 = arith.constant 32 : i32
        %add3A_103 = arith.addi %mul3A_101, %add3A_102 : i32
        %swap3A_104 = arith.index_cast %add3A_103 : i32 to index
        %swap3A_105 = tpu.vector_load %arg7[%swap3A_104] {strides = array<i32>} : memref<8192xf32, #tpu.memory_space<vmem>>, vector<16xf32>,
        tpu.vector_store %arg7[%swap3A_104], %gather3A_83 {strides = array<i32>} : memref<8192xf32, #tpu.memory_space<vmem>>, vector<16xf32>,
        %mul3A_106 = arith.constant 128 : i32
        %mul3A_107 = arith.muli %scan3A_45, %mul3A_106 : i32
        %add3A_108 = arith.constant 48 : i32
        %add3A_109 = arith.addi %mul3A_107, %add3A_108 : i32
        %swap3A_110 = arith.index_cast %add3A_109 : i32 to index
        %swap3A_111 = tpu.vector_load %arg7[%swap3A_110] {strides = array<i32>} : memref<8192xf32, #tpu.memory_space<vmem>>, vector<16xf32>,
        tpu.vector_store %arg7[%swap3A_110], %gather3A_84 {strides = array<i32>} : memref<8192xf32, #tpu.memory_space<vmem>>, vector<16xf32>,
        %mul3A_112 = arith.constant 128 : i32
        %mul3A_113 = arith.muli %scan3A_45, %mul3A_112 : i32
        %add3A_114 = arith.constant 64 : i32
        %add3A_115 = arith.addi %mul3A_113, %add3A_114 : i32
        %swap3A_116 = arith.index_cast %add3A_115 : i32 to index
        %swap3A_117 = tpu.vector_load %arg7[%swap3A_116] {strides = array<i32>} : memref<8192xf32, #tpu.memory_space<vmem>>, vector<16xf32>,
        tpu.vector_store %arg7[%swap3A_116], %gather3A_85 {strides = array<i32>} : memref<8192xf32, #tpu.memory_space<vmem>>, vector<16xf32>,
        %mul3A_118 = arith.constant 128 : i32
        %mul3A_119 = arith.muli %scan3A_45, %mul3A_118 : i32
        %add3A_120 = arith.constant 80 : i32
        %add3A_121 = arith.addi %mul3A_119, %add3A_120 : i32
        %swap3A_122 = arith.index_cast %add3A_121 : i32 to index
        %swap3A_123 = tpu.vector_load %arg7[%swap3A_122] {strides = array<i32>} : memref<8192xf32, #tpu.memory_space<vmem>>, vector<16xf32>,
        tpu.vector_store %arg7[%swap3A_122], %gather3A_86 {strides = array<i32>} : memref<8192xf32, #tpu.memory_space<vmem>>, vector<16xf32>,
        %mul3A_124 = arith.constant 128 : i32
        %mul3A_125 = arith.muli %scan3A_45, %mul3A_124 : i32
        %add3A_126 = arith.constant 96 : i32
        %add3A_127 = arith.addi %mul3A_125, %add3A_126 : i32
        %swap3A_128 = arith.index_cast %add3A_127 : i32 to index
        %swap3A_129 = tpu.vector_load %arg7[%swap3A_128] {strides = array<i32>} : memref<8192xf32, #tpu.memory_space<vmem>>, vector<16xf32>,
        tpu.vector_store %arg7[%swap3A_128], %gather3A_87 {strides = array<i32>} : memref<8192xf32, #tpu.memory_space<vmem>>, vector<16xf32>,
        %mul3A_130 = arith.constant 128 : i32
        %mul3A_131 = arith.muli %scan3A_45, %mul3A_130 : i32
        %add3A_132 = arith.constant 112 : i32
        %add3A_133 = arith.addi %mul3A_131, %add3A_132 : i32
        %swap3A_134 = arith.index_cast %add3A_133 : i32 to index
        %swap3A_135 = tpu.vector_load %arg7[%swap3A_134] {strides = array<i32>} : memref<8192xf32, #tpu.memory_space<vmem>>, vector<16xf32>,
        tpu.vector_store %arg7[%swap3A_134], %gather3A_88 {strides = array<i32>} : memref<8192xf32, #tpu.memory_space<vmem>>, vector<16xf32>,
        %scan3A_136 = arith.constant 0 : i32
        scf.yield %scan3A_136 : i32
      }
      %scan3A_37 = arith.constant 64 : i32
      "tpu.region"() ({
        %run_scoped3A = tpu.sem_alloc : memref<!tpu.dma_semaphore, #tpu.memory_space<semaphore_mem>>
        %dma_start3A = arith.constant 0 : i32
        %dma_start3A_45 = tpu.memref_slice %arg4[%add3A_11, %dma_start3A] : memref<1664x16384xf32, #tpu.memory_space<hbm>> -> memref<1x8192xf32, #tpu.memory_space<hbm>>
        %dma_start3A_46 = tpu.memref_squeeze %dma_start3A_45 : memref<1x8192xf32, #tpu.memory_space<hbm>> -> memref<8192xf32, #tpu.memory_space<hbm>>
        %dma_start3A_47 = arith.constant 0 : i32
        %dma_start3A_48 = tpu.memref_slice %arg4[%add3A_11, %dma_start3A_47] : memref<1664x16384xf32, #tpu.memory_space<hbm>> -> memref<1x8192xf32, #tpu.memory_space<hbm>>
        %dma_start3A_49 = tpu.memref_squeeze %dma_start3A_48 : memref<1x8192xf32, #tpu.memory_space<hbm>> -> memref<8192xf32, #tpu.memory_space<hbm>>
        tpu.enqueue_dma source(%arg7 : memref<8192xf32, #tpu.memory_space<vmem>>) target(%dma_start3A_49 : memref<8192xf32, #tpu.memory_space<hbm>>) target_semaphore(%run_scoped3A : memref<!tpu.dma_semaphore, #tpu.memory_space<semaphore_mem>>)
        %dma_wait3A = arith.constant 0 : i32
        %dma_wait3A_50 = tpu.memref_slice %arg4[%add3A_11, %dma_wait3A] : memref<1664x16384xf32, #tpu.memory_space<hbm>> -> memref<1x8192xf32, #tpu.memory_space<hbm>>
        %dma_wait3A_51 = tpu.memref_squeeze %dma_wait3A_50 : memref<1x8192xf32, #tpu.memory_space<hbm>> -> memref<8192xf32, #tpu.memory_space<hbm>>
        %dma_wait3A_52 = arith.constant 0 : i32
        %dma_wait3A_53 = tpu.memref_slice %arg4[%add3A_11, %dma_wait3A_52] : memref<1664x16384xf32, #tpu.memory_space<hbm>> -> memref<1x8192xf32, #tpu.memory_space<hbm>>
        %dma_wait3A_54 = tpu.memref_squeeze %dma_wait3A_53 : memref<1x8192xf32, #tpu.memory_space<hbm>> -> memref<8192xf32, #tpu.memory_space<hbm>>
        tpu.wait_dma2 semaphore(%run_scoped3A : memref<!tpu.dma_semaphore, #tpu.memory_space<semaphore_mem>>) src(%arg7 : memref<8192xf32, #tpu.memory_space<vmem>>) dst(%dma_wait3A_54 : memref<8192xf32, #tpu.memory_space<hbm>>)
        tpu.yield
      }) : () -> ()
      %scan3A_38 = arith.constant 0 : i32
      %scan3A_39 = arith.constant 0 : i32
      %scan3A_40 = arith.constant 64 : i32
      %scan3A_41 = arith.addi %scan3A_39, %scan3A_40 : i32
      %scan3A_42 = arith.constant 1 : i32
      %scan3A_43 = scf.for %scan3A_45 = %scan3A_39 to %scan3A_41 step %scan3A_42 iter_args(%scan3A_46 = %scan3A_38) -> (i32)  : i32 {
        %mul3A_47 = arith.constant 128 : i32
        %mul3A_48 = arith.muli %scan3A_45, %mul3A_47 : i32
        %add3A_49 = arith.constant 8192 : i32
        %add3A_50 = arith.addi %add3A_49, %mul3A_48 : i32
        %add3A_51 = arith.constant 0 : i32
        %add3A_52 = arith.addi %add3A_50, %add3A_51 : i32
        %get3A = arith.index_cast %add3A_52 : i32 to index
        %get3A_53 = tpu.vector_load %arg6[%get3A] {strides = array<i32>} : memref<16384xi32, #tpu.memory_space<vmem>>, vector<16xi32>,
        %add3A_54 = arith.constant 16 : i32
        %add3A_55 = arith.addi %add3A_50, %add3A_54 : i32
        %get3A_56 = arith.index_cast %add3A_55 : i32 to index
        %get3A_57 = tpu.vector_load %arg6[%get3A_56] {strides = array<i32>} : memref<16384xi32, #tpu.memory_space<vmem>>, vector<16xi32>,
        %add3A_58 = arith.constant 32 : i32
        %add3A_59 = arith.addi %add3A_50, %add3A_58 : i32
        %get3A_60 = arith.index_cast %add3A_59 : i32 to index
        %get3A_61 = tpu.vector_load %arg6[%get3A_60] {strides = array<i32>} : memref<16384xi32, #tpu.memory_space<vmem>>, vector<16xi32>,
        %add3A_62 = arith.constant 48 : i32
        %add3A_63 = arith.addi %add3A_50, %add3A_62 : i32
        %get3A_64 = arith.index_cast %add3A_63 : i32 to index
        %get3A_65 = tpu.vector_load %arg6[%get3A_64] {strides = array<i32>} : memref<16384xi32, #tpu.memory_space<vmem>>, vector<16xi32>,
        %add3A_66 = arith.constant 64 : i32
        %add3A_67 = arith.addi %add3A_50, %add3A_66 : i32
        %get3A_68 = arith.index_cast %add3A_67 : i32 to index
        %get3A_69 = tpu.vector_load %arg6[%get3A_68] {strides = array<i32>} : memref<16384xi32, #tpu.memory_space<vmem>>, vector<16xi32>,
        %add3A_70 = arith.constant 80 : i32
        %add3A_71 = arith.addi %add3A_50, %add3A_70 : i32
        %get3A_72 = arith.index_cast %add3A_71 : i32 to index
        %get3A_73 = tpu.vector_load %arg6[%get3A_72] {strides = array<i32>} : memref<16384xi32, #tpu.memory_space<vmem>>, vector<16xi32>,
        %add3A_74 = arith.constant 96 : i32
        %add3A_75 = arith.addi %add3A_50, %add3A_74 : i32
        %get3A_76 = arith.index_cast %add3A_75 : i32 to index
        %get3A_77 = tpu.vector_load %arg6[%get3A_76] {strides = array<i32>} : memref<16384xi32, #tpu.memory_space<vmem>>, vector<16xi32>,
        %add3A_78 = arith.constant 112 : i32
        %add3A_79 = arith.addi %add3A_50, %add3A_78 : i32
        %get3A_80 = arith.index_cast %add3A_79 : i32 to index
        %get3A_81 = tpu.vector_load %arg6[%get3A_80] {strides = array<i32>} : memref<16384xi32, #tpu.memory_space<vmem>>, vector<16xi32>,
        %gather3A = tpu.vector_load_idx %arg5[%get3A_53] : memref<100000xf32, #tpu.memory_space<vmem>>[vector<16xi32>], vector<16xf32>,
        %gather3A_82 = tpu.vector_load_idx %arg5[%get3A_57] : memref<100000xf32, #tpu.memory_space<vmem>>[vector<16xi32>], vector<16xf32>,
        %gather3A_83 = tpu.vector_load_idx %arg5[%get3A_61] : memref<100000xf32, #tpu.memory_space<vmem>>[vector<16xi32>], vector<16xf32>,
        %gather3A_84 = tpu.vector_load_idx %arg5[%get3A_65] : memref<100000xf32, #tpu.memory_space<vmem>>[vector<16xi32>], vector<16xf32>,
        %gather3A_85 = tpu.vector_load_idx %arg5[%get3A_69] : memref<100000xf32, #tpu.memory_space<vmem>>[vector<16xi32>], vector<16xf32>,
        %gather3A_86 = tpu.vector_load_idx %arg5[%get3A_73] : memref<100000xf32, #tpu.memory_space<vmem>>[vector<16xi32>], vector<16xf32>,
        %gather3A_87 = tpu.vector_load_idx %arg5[%get3A_77] : memref<100000xf32, #tpu.memory_space<vmem>>[vector<16xi32>], vector<16xf32>,
        %gather3A_88 = tpu.vector_load_idx %arg5[%get3A_81] : memref<100000xf32, #tpu.memory_space<vmem>>[vector<16xi32>], vector<16xf32>,
        %mul3A_89 = arith.constant 128 : i32
        %mul3A_90 = arith.muli %scan3A_45, %mul3A_89 : i32
        %add3A_91 = arith.constant 0 : i32
        %add3A_92 = arith.addi %mul3A_90, %add3A_91 : i32
        %swap3A = arith.index_cast %add3A_92 : i32 to index
        %swap3A_93 = tpu.vector_load %arg7[%swap3A] {strides = array<i32>} : memref<8192xf32, #tpu.memory_space<vmem>>, vector<16xf32>,
        tpu.vector_store %arg7[%swap3A], %gather3A {strides = array<i32>} : memref<8192xf32, #tpu.memory_space<vmem>>, vector<16xf32>,
        %mul3A_94 = arith.constant 128 : i32
        %mul3A_95 = arith.muli %scan3A_45, %mul3A_94 : i32
        %add3A_96 = arith.constant 16 : i32
        %add3A_97 = arith.addi %mul3A_95, %add3A_96 : i32
        %swap3A_98 = arith.index_cast %add3A_97 : i32 to index
        %swap3A_99 = tpu.vector_load %arg7[%swap3A_98] {strides = array<i32>} : memref<8192xf32, #tpu.memory_space<vmem>>, vector<16xf32>,
        tpu.vector_store %arg7[%swap3A_98], %gather3A_82 {strides = array<i32>} : memref<8192xf32, #tpu.memory_space<vmem>>, vector<16xf32>,
        %mul3A_100 = arith.constant 128 : i32
        %mul3A_101 = arith.muli %scan3A_45, %mul3A_100 : i32
        %add3A_102 = arith.constant 32 : i32
        %add3A_103 = arith.addi %mul3A_101, %add3A_102 : i32
        %swap3A_104 = arith.index_cast %add3A_103 : i32 to index
        %swap3A_105 = tpu.vector_load %arg7[%swap3A_104] {strides = array<i32>} : memref<8192xf32, #tpu.memory_space<vmem>>, vector<16xf32>,
        tpu.vector_store %arg7[%swap3A_104], %gather3A_83 {strides = array<i32>} : memref<8192xf32, #tpu.memory_space<vmem>>, vector<16xf32>,
        %mul3A_106 = arith.constant 128 : i32
        %mul3A_107 = arith.muli %scan3A_45, %mul3A_106 : i32
        %add3A_108 = arith.constant 48 : i32
        %add3A_109 = arith.addi %mul3A_107, %add3A_108 : i32
        %swap3A_110 = arith.index_cast %add3A_109 : i32 to index
        %swap3A_111 = tpu.vector_load %arg7[%swap3A_110] {strides = array<i32>} : memref<8192xf32, #tpu.memory_space<vmem>>, vector<16xf32>,
        tpu.vector_store %arg7[%swap3A_110], %gather3A_84 {strides = array<i32>} : memref<8192xf32, #tpu.memory_space<vmem>>, vector<16xf32>,
        %mul3A_112 = arith.constant 128 : i32
        %mul3A_113 = arith.muli %scan3A_45, %mul3A_112 : i32
        %add3A_114 = arith.constant 64 : i32
        %add3A_115 = arith.addi %mul3A_113, %add3A_114 : i32
        %swap3A_116 = arith.index_cast %add3A_115 : i32 to index
        %swap3A_117 = tpu.vector_load %arg7[%swap3A_116] {strides = array<i32>} : memref<8192xf32, #tpu.memory_space<vmem>>, vector<16xf32>,
        tpu.vector_store %arg7[%swap3A_116], %gather3A_85 {strides = array<i32>} : memref<8192xf32, #tpu.memory_space<vmem>>, vector<16xf32>,
        %mul3A_118 = arith.constant 128 : i32
        %mul3A_119 = arith.muli %scan3A_45, %mul3A_118 : i32
        %add3A_120 = arith.constant 80 : i32
        %add3A_121 = arith.addi %mul3A_119, %add3A_120 : i32
        %swap3A_122 = arith.index_cast %add3A_121 : i32 to index
        %swap3A_123 = tpu.vector_load %arg7[%swap3A_122] {strides = array<i32>} : memref<8192xf32, #tpu.memory_space<vmem>>, vector<16xf32>,
        tpu.vector_store %arg7[%swap3A_122], %gather3A_86 {strides = array<i32>} : memref<8192xf32, #tpu.memory_space<vmem>>, vector<16xf32>,
        %mul3A_124 = arith.constant 128 : i32
        %mul3A_125 = arith.muli %scan3A_45, %mul3A_124 : i32
        %add3A_126 = arith.constant 96 : i32
        %add3A_127 = arith.addi %mul3A_125, %add3A_126 : i32
        %swap3A_128 = arith.index_cast %add3A_127 : i32 to index
        %swap3A_129 = tpu.vector_load %arg7[%swap3A_128] {strides = array<i32>} : memref<8192xf32, #tpu.memory_space<vmem>>, vector<16xf32>,
        tpu.vector_store %arg7[%swap3A_128], %gather3A_87 {strides = array<i32>} : memref<8192xf32, #tpu.memory_space<vmem>>, vector<16xf32>,
        %mul3A_130 = arith.constant 128 : i32
        %mul3A_131 = arith.muli %scan3A_45, %mul3A_130 : i32
        %add3A_132 = arith.constant 112 : i32
        %add3A_133 = arith.addi %mul3A_131, %add3A_132 : i32
        %swap3A_134 = arith.index_cast %add3A_133 : i32 to index
        %swap3A_135 = tpu.vector_load %arg7[%swap3A_134] {strides = array<i32>} : memref<8192xf32, #tpu.memory_space<vmem>>, vector<16xf32>,
        tpu.vector_store %arg7[%swap3A_134], %gather3A_88 {strides = array<i32>} : memref<8192xf32, #tpu.memory_space<vmem>>, vector<16xf32>,
        %scan3A_136 = arith.constant 0 : i32
        scf.yield %scan3A_136 : i32
      }
      %scan3A_44 = arith.constant 64 : i32
      "tpu.region"() ({
        %run_scoped3A = tpu.sem_alloc : memref<!tpu.dma_semaphore, #tpu.memory_space<semaphore_mem>>
        %dma_start3A = arith.constant 8192 : i32
        %dma_start3A_45 = tpu.memref_slice %arg4[%add3A_11, %dma_start3A] : memref<1664x16384xf32, #tpu.memory_space<hbm>> -> memref<1x8192xf32, #tpu.memory_space<hbm>>
        %dma_start3A_46 = tpu.memref_squeeze %dma_start3A_45 : memref<1x8192xf32, #tpu.memory_space<hbm>> -> memref<8192xf32, #tpu.memory_space<hbm>>
        %dma_start3A_47 = arith.constant 8192 : i32
        %dma_start3A_48 = tpu.memref_slice %arg4[%add3A_11, %dma_start3A_47] : memref<1664x16384xf32, #tpu.memory_space<hbm>> -> memref<1x8192xf32, #tpu.memory_space<hbm>>
        %dma_start3A_49 = tpu.memref_squeeze %dma_start3A_48 : memref<1x8192xf32, #tpu.memory_space<hbm>> -> memref<8192xf32, #tpu.memory_space<hbm>>
        tpu.enqueue_dma source(%arg7 : memref<8192xf32, #tpu.memory_space<vmem>>) target(%dma_start3A_49 : memref<8192xf32, #tpu.memory_space<hbm>>) target_semaphore(%run_scoped3A : memref<!tpu.dma_semaphore, #tpu.memory_space<semaphore_mem>>)
        %dma_wait3A = arith.constant 8192 : i32
        %dma_wait3A_50 = tpu.memref_slice %arg4[%add3A_11, %dma_wait3A] : memref<1664x16384xf32, #tpu.memory_space<hbm>> -> memref<1x8192xf32, #tpu.memory_space<hbm>>
        %dma_wait3A_51 = tpu.memref_squeeze %dma_wait3A_50 : memref<1x8192xf32, #tpu.memory_space<hbm>> -> memref<8192xf32, #tpu.memory_space<hbm>>
        %dma_wait3A_52 = arith.constant 8192 : i32
        %dma_wait3A_53 = tpu.memref_slice %arg4[%add3A_11, %dma_wait3A_52] : memref<1664x16384xf32, #tpu.memory_space<hbm>> -> memref<1x8192xf32, #tpu.memory_space<hbm>>
        %dma_wait3A_54 = tpu.memref_squeeze %dma_wait3A_53 : memref<1x8192xf32, #tpu.memory_space<hbm>> -> memref<8192xf32, #tpu.memory_space<hbm>>
        tpu.wait_dma2 semaphore(%run_scoped3A : memref<!tpu.dma_semaphore, #tpu.memory_space<semaphore_mem>>) src(%arg7 : memref<8192xf32, #tpu.memory_space<vmem>>) dst(%dma_wait3A_54 : memref<8192xf32, #tpu.memory_space<hbm>>)
        tpu.yield
      }) : () -> ()
      scf.yield %select_n3A : i32
    }
    %scan3A_8 = arith.constant 52 : i32
    return
  }
}

</mosaic_0001>

<sc_bundles>
// kernel: kernel.3.cloned.1.call-start
scs
__scs_entry_jumppad:
0x0: {  	(pc) =	sbr.rel $0x88, $3  }
0x1: {  	(tag) =	ssettag $0x0;
	lr =	simm.s32 $0x1  }
0x2: {  	[smem:$0x3F9F] =	sst lr;
	_ =	strace $0xD0000000  }
0x3: {  	_ = 	snop  }
0x4: {  	_ = 	snop  }
0x5: {  	_ = 	snop  }
0x6: {  	_ = 	snop  }
0x7: {  	_ = 	snop  }
__scs_overlays_trampoline_lowered:
0x8: {  	[smem:$0x3FAE] =	sst s0  }
0x9: {  	[smem:$0x3FAF] =	sst s1  }
0xa: {  	[smem:$0x3FB0] =	sst s2  }
0xb: {  	[smem:$0x3FB1] =	sst s3  }
0xc: {  	[smem:$0x3FB2] =	sst s4  }
0xd: {  	[smem:$0x3FB3] =	sst s5  }
0xe: {  	[smem:$0x3FB4] =	sst s6  }
0xf: {  	[smem:$0x3FB5] =	sst s7  }
0x10: {  	[smem:$0x3FB6] =	sst s8  }
0x11: {  	[smem:$0x3FB7] =	sst s9;
	s0 =	simm.s32 @!p0 $0x0  }
0x12: {  	s1 =	sld [smem:$0x3F9D];
	s0 =	simm.s32 @p0 $0x1  }
0x13: {  	[smem:$0x3FB8] =	sst s0;
	s0 =	simm.s32 @!p1 $0x0  }
0x14: {  	s2 =	sld [smem:$0x3F9C];
	s0 =	simm.s32 @p1 $0x1  }
0x15: {  	[smem:$0x3FB9] =	sst s0;
	s0 =	simm.s32 @!p2 $0x0  }
0x16: {  	s3 =	sld [smem:$0x3FDB];
	s0 =	simm.s32 @p2 $0x1  }
0x17: {  	s4 =	simm.s32 $0x1BF5;
	[smem:$0x3FBB] =	sst s0  }
0x18: {  	s0 =	sld [smem:$0x3F9E];
	_ =	swait.ge [sflag:s4], $0x0  }
0x19: {  	s7 =	sld [smem:$0x3F9F]  }
0x1a: {  	s8 =	sadd.s32 $0xFFFFE003, lr  }
0x1b: {  	s9 =	sadd.s32 $0xFFFFFEF7, lr;
	s5 =	simm.s32 $0xFFFFFFFF;
	p2 =	slt.u32 s8, $0xFFFFF086  }
0x1c: {  	p1 =	slt.u32 s9, $0xF7A;
	s5 =	simm.s32 @!p2 $0x0  }
0x1d: {  	s5 =	simm.s32 @p1 $0x1;
	p0 =	seq.s32 s7, s2  }
0x1e: {  	s7 =	smul.u32 @!p0 $0xF7A, s2;
	p2 =	seq.s32 @!p0 s5, $0x0  }
0x1f: {  	s9 =	smul.u32 $0xF7A, s1;
	s8 =	simm.s32 @!p0 $0x1BF5;
	p2 =	por !p2, p0  }
0x20: {  	[sflag:s8] =	ssyncset.s32 @!p0 $0xFFFFF086;
	s6 =	sadd.s32 @!p0 s3, s7;
	s7 =	simm.s32 @!p0 $0x108  }
0x21: {  	s3 =	sadd.s32 s3, s9;
	s6 =	sadd.s32 @!p0 $0x88, s6;
	s7 =	simm.s32 @p2 $0x1082  }
0x22: {  	[simem:s7], [sflag:s8] =	dma.local @!p0 [hbm:s6], $0xF7A  }
0x23: {  	s9 =	sor.u32 $0xD0000000, s2;
	s6 =	simm.s32 $0x108;
	_ =	swait.ge @!p0 [sflag:s8], $0x0  }
0x24: {  	s3 =	sadd.s32 $0x88, s3;
	s6 =	simm.s32 @!p1 $0x1082;
	[sflag:s4] =	ssyncset.s32 $0xFFFFF086  }
0x25: {  	[simem:s6], [sflag:s4] =	dma.local [hbm:s3], $0xF7A  }
0x26: {  	[smem:$0x3F9F] =	sst s1;
	(tag) =	ssettag s2;
	_ =	strace s9  }
0x27: {  	s1 =	sld [smem:$0x3FAF]  }
0x28: {  	s2 =	sld [smem:$0x3FB0]  }
0x29: {  	s4 =	sld [smem:$0x3FB2]  }
0x2a: {  	p0 =	seq.s32 s5, $0x0;
	s5 =	sld [smem:$0x3FB3]  }
0x2b: {  	s6 =	sld [smem:$0x3FB4]  }
0x2c: {  	s7 =	sld [smem:$0x3FB5]  }
0x2d: {  	s3 =	simm.s32 $0x108;
	s8 =	sld [smem:$0x3FB6]  }
0x2e: {  	s3 =	simm.s32 @!p0 $0x1082;
	s9 =	sld [smem:$0x3FB7]  }
0x2f: {  	lr =	sadd.s32 s0, s3;
	s0 =	sld [smem:$0x3FAE]  }
0x30: {  	s3 =	sld [smem:$0x3FB1]  }
0x31: {  	[smem:$0x3FBA] =	sst s10  }
0x32: {  	s10 =	sld [smem:$0x3FB8];
	_ =	sdelay $0x3  }
0x33: {  	p0 =	seq.s32 s10, $0x1;
	s10 =	sld [smem:$0x3FBA];
	_ =	sdelay $0x3  }
0x34: {  	[smem:$0x3FBA] =	sst s10  }
0x35: {  	s10 =	sld [smem:$0x3FB9];
	_ =	sdelay $0x3  }
0x36: {  	p1 =	seq.s32 s10, $0x1;
	s10 =	sld [smem:$0x3FBA];
	_ =	sdelay $0x3  }
0x37: {  	[smem:$0x3FBA] =	sst s10  }
0x38: {  	s10 =	sld [smem:$0x3FBB]  }
0x39: {  	_ = 	snop;
	(pc) =	sbr.ind lr, $3  }
0x3a: {  	_ = 	snop  }
0x3b: {  	_ = 	snop  }
0x3c: {  	p2 =	seq.s32 s10, $0x1;
	s10 =	sld [smem:$0x3FBA]  }
0x3d: {  	_ =	shalt  }
0x3e: {  	_ =	shalt  }
0x3f: {  	_ =	shalt  }
0x40: {  	_ =	shalt  }
0x41: {  	_ =	shalt  }
0x42: {  	_ =	shalt  }
0x43: {  	_ =	shalt  }
0x44: {  	_ =	shalt  }
0x45: {  	_ =	shalt  }
0x46: {  	_ =	shalt  }
0x47: {  	_ =	shalt  }
0x48: {  	_ =	shalt  }
0x49: {  	_ =	shalt  }
0x4a: {  	_ =	shalt  }
0x4b: {  	_ =	shalt  }
0x4c: {  	_ =	shalt  }
0x4d: {  	_ =	shalt  }
0x4e: {  	_ =	shalt  }
0x4f: {  	_ =	shalt  }
0x50: {  	_ =	shalt  }
0x51: {  	_ =	shalt  }
0x52: {  	_ =	shalt  }
0x53: {  	_ =	shalt  }
0x54: {  	_ =	shalt  }
0x55: {  	_ =	shalt  }
0x56: {  	_ =	shalt  }
0x57: {  	_ =	shalt  }
0x58: {  	_ =	shalt  }
0x59: {  	_ =	shalt  }
0x5a: {  	_ =	shalt  }
0x5b: {  	_ =	shalt  }
0x5c: {  	_ =	shalt  }
0x5d: {  	_ =	shalt  }
0x5e: {  	_ =	shalt  }
0x5f: {  	_ =	shalt  }
0x60: {  	_ =	shalt  }
0x61: {  	_ =	shalt  }
0x62: {  	_ =	shalt  }
0x63: {  	_ =	shalt  }
0x64: {  	_ =	shalt  }
0x65: {  	_ =	shalt  }
0x66: {  	_ =	shalt  }
0x67: {  	_ =	shalt  }
0x68: {  	_ =	shalt  }
0x69: {  	_ =	shalt  }
0x6a: {  	_ =	shalt  }
0x6b: {  	_ =	shalt  }
0x6c: {  	_ =	shalt  }
0x6d: {  	_ =	shalt  }
0x6e: {  	_ =	shalt  }
0x6f: {  	_ =	shalt  }
0x70: {  	_ =	shalt  }
0x71: {  	_ =	shalt  }
0x72: {  	_ =	shalt  }
0x73: {  	_ =	shalt  }
0x74: {  	_ =	shalt  }
0x75: {  	_ =	shalt  }
0x76: {  	_ =	shalt  }
0x77: {  	_ =	shalt  }
0x78: {  	_ =	shalt  }
0x79: {  	_ =	shalt  }
0x7a: {  	_ =	shalt  }
0x7b: {  	_ =	shalt  }
0x7c: {  	_ =	shalt  }
0x7d: {  	_ =	shalt  }
0x7e: {  	_ =	shalt  }
0x7f: {  	_ =	shalt  }
0x80: {  	_ =	shalt  }
0x81: {  	_ =	shalt  }
0x82: {  	_ =	shalt  }
0x83: {  	_ =	shalt  }
0x84: {  	_ =	shalt  }
0x85: {  	_ =	shalt  }
0x86: {  	_ =	shalt  }
0x87: {  	_ =	shalt  }
.Lfunc_end0:
.L_simem_size_0:
called_computation.1_lowered:
.L_overlay_start_0:
0x88: {  	s2 =	sld [smem:$0x3FD9]  }
0x89: {  	s3 =	sld [smem:$0x3FFE];
	_ =	sdelay $0x1  }
0x8a: {  	s1 =	srdreg.scid  }
0x8b: {  	s0 =	sand.u32 $0x1, s1  }
0x8c: {  	s17 =	sshll.u32 s0, $0xA;
	s2 =	sadd.s32 s3, s2  }
0x8d: {  	s2 =	sadd.s32 s2, s17  }
0x8e: {  	[smem:$0x3FC6] =	sst s2  }
0x8f: {  	_ = 	snop  }
0x90: {  	s2 =	sld [smem:$0x3FC9]  }
0x91: {  	s18 =	sld [smem:$0x3FC8];
	(tm) =	ssettm $0x1  }
0x92: {  	s4 =	sld [smem:$0x3FFB];
	_ =	sdelay $0x3  }
0x93: {  	_ =	strace s4  }
0x94: {  	s4 =	sld [smem:$0x3FFC];
	_ =	sdelay $0x3  }
0x95: {  	_ =	strace s4  }
0x96: {  	s4 =	sld [smem:$0x3FFD];
	_ =	sdelay $0x3  }
0x97: {  	_ =	strace s4  }
0x98: {  	_ =	strace $0x8FFFFFFF  }
0x99: {  	s19 =	sld [smem:$0x3FDB];
	_ =	sdelay $0x1  }
0x9a: {  	s5 =	simm.s32 $_scs_section_size  }
0x9b: {  	s6 =	simm.s32 $_size__tile_overlayer_lowered;
	s7 =	simm.s32 $_tile_overlayer_lowered  }
0x9c: {  	s22 =	simm.s32 $0x1BFF;
	s21 =	sshll.u32 s7, $0x1;
	s4 =	sadd.s32 s5, s19  }
0x9d: {  	s8 =	simm.s32 $0x0;
	s20 =	sshll.u32 s6, $0x1;
	s6 =	sadd.s32 s21, s4  }
0x9e: {  	[timem:s8], [sflag:s22] =	dma.local [hbm:s6], s20  }
0x9f: {  	_ =	swait.ge [sflag:s22], s20  }
0xa0: {  	s5 =	ssub.s32 $0x0, s20;
	[sflag:s22] =	ssyncset.done $0x0  }
0xa1: {  	[sflag:s22] =	ssyncadd.s32 s5;
	_ =	sdelay $0x1  }
0xa2: {  	s23 =	simm.s32 $0x1B8B  }
0xa3: {  	_ =	swait.ge [sflag:s23], $0x1  }
0xa4: {  	[sflag:s23] =	ssyncset.done $0x0  }
0xa5: {  	s25 =	simm.s32 $0x1B8E;
	s24 =	sld [smem:$0x3FFE];
	[sflag:s23] =	ssyncadd.s32 $0xFFFFFFFF  }
0xa6: {  	s26 =	simm.s32 $execute0_lowered;
	[smem:$0x3FD2] =	sst s25  }
0xa7: {  	s6 =	sshll.u32 s26, $0x1;
	_ =	strace $0x80000046;
	[dreg:$0x1] =	wrdreg $0xFFFFFFFF  }
0xa8: {  	s28 =	simm.s32 $_size_execute0_lowered;
	s4 =	sadd.s32 s4, s6;
	[dreg:$0x0] =	wrdreg $0x0  }
0xa9: {  	s6 =	sshll.u32 s28, $0x1;
	[dreg:$0x2] =	wrdreg s4  }
0xaa: {  	[dreg:$0x3] =	wrdreg s6  }
0xab: {  	[dreg:$0x4] =	wrdreg $0xC0  }
0xac: {  	_ =	task [dreg:s8], $0x5FFFF  }
0xad: {  	[dreg:$0x1] =	wrdreg $0xFFFFFFFF  }
0xae: {  	[dreg:$0x0] =	wrdreg $0x60  }
0xaf: {  	[dreg:$0x2] =	wrdreg s18  }
0xb0: {  	[dreg:$0x3] =	wrdreg s2  }
0xb1: {  	[dreg:$0x4] =	wrdreg s24  }
0xb2: {  	[dreg:$0x5] =	wrdreg $0x9  }
0xb3: {  	_ =	task.clear_ibuf [dreg:s8], $0x6FFFF;
	_ =	strace $0x90000046  }
0xb4: {  	s29 =	simm.s32 $0x9;
	_ =	strace $0x80000048  }
0xb5: {  	_ =	swait.ge [sflag:s29], $0x1  }
0xb6: {  	[sflag:s29] =	ssyncadd.s32 $0xFFFFFFFF  }
0xb7: {  	_ =	strace $0x90000048  }
0xb8: {  	_ =	sfence  }
0xb9: {  	s30 =	sld [smem:$0x0];
	_ =	sdelay $0x2  }
0xba: {  	s31 =	sshll.u32 s1, $0xD;
	s1 =	sshrl.u32 s1, $0x2  }
0xbb: {  	s3 =	sand.u32 $0x4000, s31;
	s1 =	sadd.s32 s1, s30  }
0xbc: {  	s0 =	sor.u32 s3, s0;
	s1 =	sshll.u32 s1, $0x11  }
0xbd: {  	s0 =	sor.u32 s1, s0  }
0xbe: {  	s0 =	sadd.s32 $0x8F2B, s0  }
0xbf: {  	[sflag:s0] =	ssyncadd.remote.s32 $0x1  }
0xc0: {  	_ =	sfence.sel $0xFFFF  }
0xc1: {  	[dreg:$0x0] =	wrdreg $0xFFFFFFFF;
	(pc) =	sbr.abs _section_cstart, $3  }
0xc2: {  	[dreg:$0x1] =	wrdreg $0xFFFFFFFF  }
0xc3: {  	_ =	task.clear_ibuf [dreg:s8], $0x2FFFF;
	_ =	strace $0x9FFFFFFF  }
0xc4: {  	(tm) =	ssettm $0x7FFFFFFF  }
0xc5: {  	_ =	shalt  }
tec
execute0_lowered:
.L_overlay_start_1:
0x0: {  	(tag) =	ssettag $0x1  }
0x1: {  	s1 =	rddreg [dreg:$0x0]  }
0x2: {  	s2 =	rddreg [dreg:$0x1]  }
0x3: {  	s7 =	rddreg [dreg:$0x2];
	s3 =	srdreg.scid  }
0x4: {  	s0 =	rddreg [dreg:$0x3];
	s4 =	simm.s32 $0x0;
	s11 =	simm.s32 $0x18700  }
0x5: {  	s12 =	simm.s32 $0x1;
	s13 =	simm.s32 $0x1C700;
	s14 =	simm.s32 $0x0  }
0x6: {  	s6 =	sand.u32 $0x1, s3;
	[smem:$0x7FF] =	sst s4;
	s3 =	stileid.u32  }
0x7: {  	s5 =	sadd.s32 $0x800, s7;
	s7 =	sadd.s32 $0x2800, s7;
	s8 =	ssub.s32 $0x2, s6  }
0x8: {  	_ =	strace $0x80000047;
	s10 =	sshll.u32 s3, $0x1;
	s9 =	sshrl.u32 s8, $0x1  }
0x9: {  	s6 =	sor.u32 s6, s10;
	s10 =	simm.s32 $0x400;
	s8 =	ssub.s32 s8, s9  }
0xa: {  	s6 =	smul.u32 $0x34, s6;
	s9 =	simm.s32 $0x80;
	s8 =	smax.u32 s8, $0x1  }
.LBB2_1:
0xb: {  	s16 =	simm.s32 $0xFFFFFFFF;
	s15 =	simm.s32 $0x0  }
.LBB2_2:
0xc: {  	s18 =	sadd.s32 s6, s15  }
0xd: {  	s17 =	smov.u32 s16;
	p0 =	seq.s32 s15, $0x0;
	s16 =	sshrl.u32 s18, $0x6  }
0xe: {  	p1 =	seq.s32 @!p0 s16, s17  }
0xf: {  	p0 =	por p0, !p1  }
0x10: {  	s17 =	sshll.u32 @p0 s16, $0x4  }
0x11: {  	s19 =	sshll.u32 @p0 s16, $0xB;
	s17 =	sand.u32 @p0 $0x70, s17  }
0x12: {  	s19 =	sand.u32 @p0 $0xFFFC000, s19;
	s17 =	sadd.s32 @p0 s2, s17  }
0x13: {  	s17 =	sadd.s32 @p0 s19, s17  }
0x14: {  	[tilespmem:s11], [sflag:$0x1] =	stream.strided.gather @p0 [hbm4b:s17+s9], $0x4000, s10, s9, $0x38;
	[tilespmem:$0x1E700] =	vst v63  }
0x15: {  	s17 =	sshrl.u32 s18, $0x3  }
0x16: {  	s18 =	sshll.u32 s18, $0x7;
	s31 =	smul.u32 $0xC3800, s17  }
0x17: {  	s18 =	sand.u32 $0x380, s18  }
0x18: {  	_ =	swait.ge @p0 [sflag:s12], $0x4000;
	s19 =	sor.u32 s18, s31  }
0x19: {  	[sflag:s12] =	ssyncset.done @p0 $0x0;
	s19 =	sshrl.u32 s19, $0x3  }
0x1a: {  	s20 =	simm.s32 $0x0;
	[sflag:s12] =	ssyncadd.s32 @p0 $0xFFFFC000;
	s19 =	sadd.s32 s1, s19  }
0x1b: {  	[tilespmem:s20], [sflag:$0x1] =	stream.strided.gather [hbm4b:s19+s9], $0x18700, s10, s9, $0x38;
	[tilespmem:$0x1E700] =	vst v63  }
0x1c: {  	_ =	swait.ge [sflag:s12], $0x18700  }
0x1d: {  	[sflag:s12] =	ssyncset.done $0x0  }
0x1e: {  	s19 =	simm.s32 $0x0;
	[sflag:s12] =	ssyncadd.s32 $0xFFFE7900  }
0x1f: {  	v0 =	vld [tilespmem:s19+$0x18700]  }
0x20: {  	v1 =	vld [tilespmem:s19+$0x18770]  }
0x21: {  	v2 =	vld [tilespmem:s19+$0x18710]  }
0x22: {  	v3 =	vld [tilespmem:s19+$0x18720]  }
0x23: {  	v4 =	vld [tilespmem:s19+$0x18730]  }
0x24: {  	v7 =	vld [tilespmem:s19+$0x18740]  }
0x25: {  	v8 =	vld [tilespmem:s19+$0x18750]  }
0x26: {  	v9 =	vld [tilespmem:s19+$0x18760]  }
0x27: {  	v10 =	vld.idx.msk [tilespmem:v0+s4+$0x0], $0xffff  }
0x28: {  	v0 =	vld.idx.msk [tilespmem:v1+s4+$0x0], $0xffff  }
0x29: {  	v6 =	vld.idx.msk [tilespmem:v2+s4+$0x0], $0xffff  }
0x2a: {  	v5 =	vld.idx.msk [tilespmem:v3+s4+$0x0], $0xffff  }
0x2b: {  	v4 =	vld.idx.msk [tilespmem:v4+s4+$0x0], $0xffff  }
0x2c: {  	v3 =	vld.idx.msk [tilespmem:v7+s4+$0x0], $0xffff  }
0x2d: {  	v2 =	vld.idx.msk [tilespmem:v8+s4+$0x0], $0xffff  }
0x2e: {  	s20 =	simm.s32 $0x80;
	v1 =	vld.idx.msk [tilespmem:v9+s4+$0x0], $0xffff;
	[tilespmem:s19+$0x1C770] =	vst v0  }
0x2f: {  	s21 =	simm.s32 $0x400;
	v0 =	vld [tilespmem:s20+$0x18700];
	[tilespmem:s19+$0x1C700] =	vst v10  }
.LBB2_3:
0x30: {  	p0 =	sne.s32 s21, $0x7E00;
	v7 =	vld [tilespmem:s20+$0x18770];
	[tilespmem:s19+$0x1C710] =	vst v6  }
0x31: {  	v6 =	vld [tilespmem:s20+$0x18710];
	[tilespmem:s19+$0x1C720] =	vst v5  }
0x32: {  	v5 =	vld [tilespmem:s20+$0x18720];
	[tilespmem:s19+$0x1C730] =	vst v4  }
0x33: {  	v4 =	vld [tilespmem:s20+$0x18730];
	[tilespmem:s19+$0x1C740] =	vst v3  }
0x34: {  	v3 =	vld [tilespmem:s20+$0x18740];
	[tilespmem:s19+$0x1C750] =	vst v2  }
0x35: {  	v2 =	vld [tilespmem:s20+$0x18750];
	[tilespmem:s19+$0x1C760] =	vst v1;
	s19 =	smov.u32 s20  }
0x36: {  	v1 =	vld [tilespmem:s19+$0x18760]  }
0x37: {  	v8 =	vld.idx.msk [tilespmem:v0+s4+$0x0], $0xffff  }
0x38: {  	v0 =	vld.idx.msk [tilespmem:v7+s4+$0x0], $0xffff  }
0x39: {  	v6 =	vld.idx.msk [tilespmem:v6+s4+$0x0], $0xffff  }
0x3a: {  	v5 =	vld.idx.msk [tilespmem:v5+s4+$0x0], $0xffff  }
.Ltmp0:
0x3b: {  	v4 =	vld.idx.msk [tilespmem:v4+s4+$0x0], $0xffff;
	(pc) =	sbr.rel @p0 .LBB2_3-.Ltmp0, $4  }
0x3c: {  	v3 =	vld.idx.msk [tilespmem:v3+s4+$0x0], $0xffff  }
0x3d: {  	v2 =	vld.idx.msk [tilespmem:v2+s4+$0x0], $0xffff  }
0x3e: {  	s20 =	sshra.s32 s21, $0x2;
	v1 =	vld.idx.msk [tilespmem:v1+s4+$0x0], $0xffff;
	[tilespmem:s19+$0x1C770] =	vst v0  }
0x3f: {  	s21 =	sadd.s32 $0x200, s21;
	v0 =	vld [tilespmem:s20+$0x18700];
	[tilespmem:s19+$0x1C700] =	vst v8  }
0x40: {  	_ = 	snop  }
0x41: {  	v7 =	vld [tilespmem:s20+$0x18770];
	[tilespmem:s19+$0x1C710] =	vst v6  }
0x42: {  	v6 =	vld [tilespmem:s20+$0x18710];
	[tilespmem:s19+$0x1C720] =	vst v5  }
0x43: {  	v5 =	vld [tilespmem:s20+$0x18720];
	[tilespmem:s19+$0x1C730] =	vst v4  }
0x44: {  	v4 =	vld [tilespmem:s20+$0x18730];
	[tilespmem:s19+$0x1C740] =	vst v3  }
0x45: {  	v3 =	vld [tilespmem:s20+$0x18740];
	[tilespmem:s19+$0x1C750] =	vst v2  }
0x46: {  	v2 =	vld [tilespmem:s20+$0x18750];
	[tilespmem:s19+$0x1C760] =	vst v1  }
0x47: {  	v1 =	vld [tilespmem:s20+$0x18760]  }
0x48: {  	v0 =	vld.idx.msk [tilespmem:v0+s4+$0x0], $0xffff  }
0x49: {  	v7 =	vld.idx.msk [tilespmem:v7+s4+$0x0], $0xffff  }
0x4a: {  	v6 =	vld.idx.msk [tilespmem:v6+s4+$0x0], $0xffff  }
0x4b: {  	v5 =	vld.idx.msk [tilespmem:v5+s4+$0x0], $0xffff  }
0x4c: {  	v4 =	vld.idx.msk [tilespmem:v4+s4+$0x0], $0xffff  }
0x4d: {  	v3 =	vld.idx.msk [tilespmem:v3+s4+$0x0], $0xffff  }
0x4e: {  	v2 =	vld.idx.msk [tilespmem:v2+s4+$0x0], $0xffff  }
0x4f: {  	v1 =	vld.idx.msk [tilespmem:v1+s4+$0x0], $0xffff;
	[tilespmem:s20+$0x1C770] =	vst v7  }
0x50: {  	[tilespmem:s20+$0x1C700] =	vst v0  }
0x51: {  	[tilespmem:s20+$0x1C710] =	vst v6  }
0x52: {  	[tilespmem:s20+$0x1C720] =	vst v5  }
0x53: {  	s17 =	sshll.u32 s17, $0x11;
	[tilespmem:s20+$0x1C730] =	vst v4  }
0x54: {  	s17 =	sor.u32 s18, s17;
	[tilespmem:s20+$0x1C740] =	vst v3  }
0x55: {  	s17 =	sshrl.u32 s17, $0x3;
	[tilespmem:s20+$0x1C750] =	vst v2  }
0x56: {  	s31 =	sadd.s32 s5, s17;
	[tilespmem:s20+$0x1C760] =	vst v1  }
0x57: {  	[hbm4b:s31+s9] =	stream.strided.scatter [tilespmem:s13], [sflag:$0x1], $0x2000, s10, s9, $0x38;
	[tilespmem:$0x1E700] =	vst v63  }
0x58: {  	_ =	swait.ge [sflag:s12], $0x2000  }
0x59: {  	[sflag:s12] =	ssyncset.done $0x0  }
0x5a: {  	s18 =	simm.s32 $0x40;
	[sflag:s12] =	ssyncadd.s32 $0xFFFFE000  }
0x5b: {  	v0 =	vld [tilespmem:s18+$0x1A6C0]  }
0x5c: {  	v1 =	vld [tilespmem:s18+$0x1A730]  }
0x5d: {  	v2 =	vld [tilespmem:s18+$0x1A6D0]  }
0x5e: {  	v3 =	vld [tilespmem:s18+$0x1A6E0]  }
0x5f: {  	v4 =	vld [tilespmem:s18+$0x1A6F0]  }
0x60: {  	v7 =	vld [tilespmem:s18+$0x1A700]  }
0x61: {  	v8 =	vld [tilespmem:s18+$0x1A710]  }
0x62: {  	v9 =	vld [tilespmem:s18+$0x1A720]  }
0x63: {  	v10 =	vld.idx.msk [tilespmem:v0+s4+$0x0], $0xffff  }
0x64: {  	v0 =	vld.idx.msk [tilespmem:v1+s4+$0x0], $0xffff  }
0x65: {  	v6 =	vld.idx.msk [tilespmem:v2+s4+$0x0], $0xffff  }
0x66: {  	v5 =	vld.idx.msk [tilespmem:v3+s4+$0x0], $0xffff  }
0x67: {  	v4 =	vld.idx.msk [tilespmem:v4+s4+$0x0], $0xffff  }
0x68: {  	v3 =	vld.idx.msk [tilespmem:v7+s4+$0x0], $0xffff  }
0x69: {  	v2 =	vld.idx.msk [tilespmem:v8+s4+$0x0], $0xffff  }
0x6a: {  	s19 =	simm.s32 $0xC0;
	v1 =	vld.idx.msk [tilespmem:v9+s4+$0x0], $0xffff;
	[tilespmem:s18+$0x1C730] =	vst v0  }
0x6b: {  	s20 =	simm.s32 $0x500;
	v0 =	vld [tilespmem:s19+$0x1A6C0];
	[tilespmem:s18+$0x1C6C0] =	vst v10  }
.LBB2_5:
0x6c: {  	p0 =	sne.s32 s20, $0x7F00;
	v7 =	vld [tilespmem:s19+$0x1A730];
	[tilespmem:s18+$0x1C6D0] =	vst v6  }
0x6d: {  	v6 =	vld [tilespmem:s19+$0x1A6D0];
	[tilespmem:s18+$0x1C6E0] =	vst v5  }
0x6e: {  	v5 =	vld [tilespmem:s19+$0x1A6E0];
	[tilespmem:s18+$0x1C6F0] =	vst v4  }
0x6f: {  	v4 =	vld [tilespmem:s19+$0x1A6F0];
	[tilespmem:s18+$0x1C700] =	vst v3  }
0x70: {  	v3 =	vld [tilespmem:s19+$0x1A700];
	[tilespmem:s18+$0x1C710] =	vst v2  }
0x71: {  	v2 =	vld [tilespmem:s19+$0x1A710];
	[tilespmem:s18+$0x1C720] =	vst v1;
	s18 =	smov.u32 s19  }
0x72: {  	v1 =	vld [tilespmem:s18+$0x1A720]  }
0x73: {  	v8 =	vld.idx.msk [tilespmem:v0+s4+$0x0], $0xffff  }
0x74: {  	v0 =	vld.idx.msk [tilespmem:v7+s4+$0x0], $0xffff  }
0x75: {  	v6 =	vld.idx.msk [tilespmem:v6+s4+$0x0], $0xffff  }
0x76: {  	v5 =	vld.idx.msk [tilespmem:v5+s4+$0x0], $0xffff  }
.Ltmp1:
0x77: {  	v4 =	vld.idx.msk [tilespmem:v4+s4+$0x0], $0xffff;
	(pc) =	sbr.rel @p0 .LBB2_5-.Ltmp1, $4  }
0x78: {  	v3 =	vld.idx.msk [tilespmem:v3+s4+$0x0], $0xffff  }
0x79: {  	v2 =	vld.idx.msk [tilespmem:v2+s4+$0x0], $0xffff  }
0x7a: {  	s19 =	sshra.s32 s20, $0x2;
	v1 =	vld.idx.msk [tilespmem:v1+s4+$0x0], $0xffff;
	[tilespmem:s18+$0x1C730] =	vst v0  }
0x7b: {  	s20 =	sadd.s32 $0x200, s20;
	v0 =	vld [tilespmem:s19+$0x1A6C0];
	[tilespmem:s18+$0x1C6C0] =	vst v8  }
0x7c: {  	_ = 	snop  }
0x7d: {  	v7 =	vld [tilespmem:s19+$0x1A730];
	[tilespmem:s18+$0x1C6D0] =	vst v6  }
0x7e: {  	v6 =	vld [tilespmem:s19+$0x1A6D0];
	[tilespmem:s18+$0x1C6E0] =	vst v5  }
0x7f: {  	v5 =	vld [tilespmem:s19+$0x1A6E0];
	[tilespmem:s18+$0x1C6F0] =	vst v4  }
0x80: {  	v4 =	vld [tilespmem:s19+$0x1A6F0];
	[tilespmem:s18+$0x1C700] =	vst v3  }
0x81: {  	v3 =	vld [tilespmem:s19+$0x1A700];
	[tilespmem:s18+$0x1C710] =	vst v2  }
0x82: {  	v2 =	vld [tilespmem:s19+$0x1A710];
	[tilespmem:s18+$0x1C720] =	vst v1  }
0x83: {  	v1 =	vld [tilespmem:s19+$0x1A720]  }
0x84: {  	v0 =	vld.idx.msk [tilespmem:v0+s4+$0x0], $0xffff  }
0x85: {  	v7 =	vld.idx.msk [tilespmem:v7+s4+$0x0], $0xffff  }
0x86: {  	v6 =	vld.idx.msk [tilespmem:v6+s4+$0x0], $0xffff  }
0x87: {  	v5 =	vld.idx.msk [tilespmem:v5+s4+$0x0], $0xffff  }
0x88: {  	v4 =	vld.idx.msk [tilespmem:v4+s4+$0x0], $0xffff  }
0x89: {  	v3 =	vld.idx.msk [tilespmem:v3+s4+$0x0], $0xffff  }
0x8a: {  	v2 =	vld.idx.msk [tilespmem:v2+s4+$0x0], $0xffff  }
0x8b: {  	v1 =	vld.idx.msk [tilespmem:v1+s4+$0x0], $0xffff;
	[tilespmem:s19+$0x1C730] =	vst v7  }
0x8c: {  	[tilespmem:s19+$0x1C6C0] =	vst v0  }
0x8d: {  	[tilespmem:s19+$0x1C6D0] =	vst v6  }
0x8e: {  	[tilespmem:s19+$0x1C6E0] =	vst v5  }
0x8f: {  	[tilespmem:s19+$0x1C6F0] =	vst v4  }
0x90: {  	s15 =	sadd.s32 $0x1, s15;
	[tilespmem:s19+$0x1C700] =	vst v3  }
0x91: {  	p0 =	sne.s32 s15, $0x34;
	[tilespmem:s19+$0x1C710] =	vst v2  }
.Ltmp2:
0x92: {  	s17 =	sadd.s32 s17, s7;
	[tilespmem:s19+$0x1C720] =	vst v1;
	(pc) =	sbr.rel @p0 .LBB2_2-.Ltmp2, $4  }
0x93: {  	[hbm4b:s17+s9] =	stream.strided.scatter [tilespmem:s13], [sflag:$0x1], $0x2000, s10, s9, $0x38;
	[tilespmem:$0x1E700] =	vst v63  }
0x94: {  	_ =	swait.ge [sflag:s12], $0x2000  }
0x95: {  	[sflag:s12] =	ssyncset.done $0x0  }
0x96: {  	[sflag:s12] =	ssyncadd.s32 $0xFFFFE000  }
0x97: {  	s14 =	sadd.s32 $0x1, s14  }
0x98: {  	p0 =	sne.s32 s14, s8  }
.Ltmp3:
0x99: {  	_ = 	snop;
	(pc) =	sbr.rel @p0 .LBB2_1-.Ltmp3, $1  }
0x9a: {  	_ =	sdelay $0x3  }
0x9b: {  	_ =	sfence.sel $0x180000  }
0x9c: {  	[bflag:$0x0] =	sbarrier.arrive $0xFFFF  }
0x9d: {  	p0 =	sne.s32 s3, $0x0;
	_ =	strace $0x90000047  }
0x9e: {  	s0 =	sadd.s32 @!p0 $0x100000, s0;
	[bflag:$0x2] =	sbarrier.arrive $0xFFFF  }
0x9f: {  	[sflag:s0] =	ssyncadd.tile.s32 @!p0 $0x1;
	_ =	shalt  }
.Lfunc_end2:
_tile_overlayer_lowered:
.L_overlay_start_2:
0xa0: {  	(tag) =	ssettag $0x2  }
0xa1: {  	s0 =	rddreg [dreg:$0x0];
	s2 =	stileid.u32  }
0xa2: {  	s1 =	rddreg [dreg:$0x1];
	p0 =	sne.s32 s2, $0x0  }
0xa3: {  	s3 =	rddreg [dreg:$0x2];
	[bflag:$0x3] =	sbarrier.arrive $0xFFFF;
	s2 =	simm.s32 @!p0 $0x1C01  }
0xa4: {  	[timem:s3], [sflag:s2] =	dma.local @!p0 [hbm:s0], s1  }
0xa5: {  	s0 =	simm.s32 @!p0 $0x1  }
0xa6: {  	_ =	swait.ge @!p0 [sflag:s0], s1  }
0xa7: {  	s1 =	ssub.s32 @!p0 $0x0, s1;
	[sflag:s0] =	ssyncset.done @!p0 $0x0  }
0xa8: {  	[sflag:s0] =	ssyncadd.s32 @!p0 s1  }
0xa9: {  	[bflag:$0x3] =	sbarrier.arrive $0xFFFF  }
0xaa: {  	_ =	shalt  }

// kernel: sparse-core-data-format-call.cloned.1.call-start
scs
called_computation_lowered:
.L_overlay_start_0:
0x0: {  	s2 =	sld [smem:$0x3FD9]  }
0x1: {  	s3 =	sld [smem:$0x3FFE];
	_ =	sdelay $0x1  }
0x2: {  	s1 =	srdreg.scid  }
0x3: {  	s0 =	sand.u32 $0x1, s1  }
0x4: {  	s18 =	sshll.u32 s0, $0xA;
	s2 =	sadd.s32 s3, s2  }
0x5: {  	s2 =	sadd.s32 s2, s18  }
0x6: {  	[smem:$0x3FC6] =	sst s2  }
0x7: {  	_ = 	snop  }
0x8: {  	s2 =	sld [smem:$0x3FD0];
	(tm) =	ssettm $0x1  }
0x9: {  	s19 =	sld [smem:$0x3FFB];
	_ =	sdelay $0x3  }
0xa: {  	_ =	strace s19  }
0xb: {  	s3 =	sld [smem:$0x3FFC];
	_ =	sdelay $0x3  }
0xc: {  	_ =	strace s3  }
0xd: {  	s3 =	sld [smem:$0x3FFD];
	_ =	sdelay $0x3  }
0xe: {  	_ =	strace s3  }
0xf: {  	_ =	strace $0x8FFFFFFF  }
0x10: {  	s20 =	sld [smem:$0x3FDB];
	_ =	sdelay $0x1  }
0x11: {  	s4 =	simm.s32 $_scs_section_size  }
0x12: {  	s5 =	simm.s32 $_size__tile_overlayer_lowered;
	s6 =	simm.s32 $_tile_overlayer_lowered  }
0x13: {  	s23 =	simm.s32 $0x1BFF;
	s22 =	sshll.u32 s6, $0x1;
	s3 =	sadd.s32 s4, s20  }
0x14: {  	s7 =	simm.s32 $0x0;
	s21 =	sshll.u32 s5, $0x1;
	s5 =	sadd.s32 s22, s3  }
0x15: {  	[timem:s7], [sflag:s23] =	dma.local [hbm:s5], s21  }
0x16: {  	_ =	swait.ge [sflag:s23], s21  }
0x17: {  	s4 =	ssub.s32 $0x0, s21;
	[sflag:s23] =	ssyncset.done $0x0  }
0x18: {  	[sflag:s23] =	ssyncadd.s32 s4;
	_ =	sdelay $0x1  }
0x19: {  	s24 =	simm.s32 $0x1B8B  }
0x1a: {  	_ =	swait.ge [sflag:s24], $0x1  }
0x1b: {  	[sflag:s24] =	ssyncset.done $0x0  }
0x1c: {  	s26 =	simm.s32 $0x1B8E;
	s25 =	sld [smem:$0x3FFE];
	[sflag:s24] =	ssyncadd.s32 $0xFFFFFFFF  }
0x1d: {  	s27 =	simm.s32 $execute0_lowered;
	[smem:$0x3FD2] =	sst s26  }
0x1e: {  	s5 =	sshll.u32 s27, $0x1;
	_ =	strace $0x80000049;
	[dreg:$0x1] =	wrdreg $0xFFFFFFFF  }
0x1f: {  	s28 =	simm.s32 $_size_execute0_lowered;
	s3 =	sadd.s32 s3, s5;
	[dreg:$0x0] =	wrdreg $0x0  }
0x20: {  	s5 =	sshll.u32 s28, $0x1;
	[dreg:$0x2] =	wrdreg s3  }
0x21: {  	[dreg:$0x3] =	wrdreg s5  }
0x22: {  	[dreg:$0x4] =	wrdreg $0xC0  }
0x23: {  	_ =	task [dreg:s7], $0x5FFFF  }
0x24: {  	[dreg:$0x1] =	wrdreg $0xFFFFFFFF  }
0x25: {  	[dreg:$0x0] =	wrdreg $0x60  }
0x26: {  	[dreg:$0x2] =	wrdreg s25  }
0x27: {  	[dreg:$0x3] =	wrdreg s2  }
0x28: {  	[dreg:$0x4] =	wrdreg $0x9  }
0x29: {  	_ =	task.clear_ibuf [dreg:s7], $0x5FFFF;
	_ =	strace $0x90000049  }
0x2a: {  	s29 =	simm.s32 $0x9;
	_ =	strace $0x8000004B  }
0x2b: {  	_ =	swait.ge [sflag:s29], $0x1  }
0x2c: {  	[sflag:s29] =	ssyncadd.s32 $0xFFFFFFFF  }
0x2d: {  	_ =	strace $0x9000004B  }
0x2e: {  	_ =	sfence  }
0x2f: {  	s30 =	sld [smem:$0x0];
	_ =	sdelay $0x2  }
0x30: {  	s31 =	sshll.u32 s1, $0xD;
	s1 =	sshrl.u32 s1, $0x2  }
0x31: {  	s3 =	sand.u32 $0x4000, s31;
	s1 =	sadd.s32 s1, s30  }
0x32: {  	s0 =	sor.u32 s3, s0;
	s1 =	sshll.u32 s1, $0x11  }
0x33: {  	s0 =	sor.u32 s1, s0  }
0x34: {  	s0 =	sadd.s32 $0x8F2B, s0  }
0x35: {  	[sflag:s0] =	ssyncadd.remote.s32 $0x1  }
0x36: {  	_ =	sfence.sel $0xFFFF  }
0x37: {  	[dreg:$0x0] =	wrdreg $0xFFFFFFFF;
	(pc) =	sbr.abs _section_cstart, $3  }
0x38: {  	[dreg:$0x1] =	wrdreg $0xFFFFFFFF  }
0x39: {  	_ =	task.clear_ibuf [dreg:s7], $0x2FFFF;
	_ =	strace $0x9FFFFFFF  }
0x3a: {  	(tm) =	ssettm $0x7FFFFFFF  }
0x3b: {  	_ =	shalt  }
tec
execute0_lowered:
.L_overlay_start_1:
0x0: {  	(tag) =	ssettag $0x1  }
0x1: {  	s0 =	srdreg.scid  }
0x2: {  	s1 =	sshll.u32 s0, $0x4  }
0x3: {  	s0 =	stileid.u32;
	s1 =	sand.u32 $0x10, s1  }
0x4: {  	s1 =	sor.u32 s0, s1  }
0x5: {  	s6 =	rddreg [dreg:$0x0];
	s4 =	simm.s32 $0x1;
	s2 =	sshll.u32 s1, $0x7  }
0x6: {  	s7 =	simm.s32 $0x2;
	s13 =	simm.s32 $0x0;
	s1 =	ssub.s32 $0x4000, s2  }
0x7: {  	s8 =	simm.s32 $0x3400;
	s12 =	simm.s32 $0x0;
	s3 =	sand.u32 $0xF80, s1  }
0x8: {  	s10 =	simm.s32 $0x0;
	s5 =	sshrl.u32 s1, $0xC;
	p0 =	sne.s32 s3, $0x0  }
.Ltmp0:
0x9: {  	s1 =	rddreg [dreg:$0x2];
	s4 =	simm.s32 @!p0 $0x0;
	(pc) =	sbr.rel .LBB1_1-.Ltmp0, $4  }
0xa: {  	s11 =	simm.s32 $0x0;
	s3 =	rddreg [dreg:$0x1];
	s5 =	sadd.s32 s4, s5  }
0xb: {  	_ =	strace $0x8000004A;
	s4 =	simm.s32 $0x1;
	s5 =	smul.u32 $0xD, s5  }
0xc: {  	s6 =	sadd.s32 $0x800, s6;
	s9 =	smov.u32 s2;
	[sflag:s4] =	ssyncpa.u1 $0x0  }
0xd: {  	p0 =	por $0x0, $0x0;
	[sflag:s7] =	ssyncpa.u1 $0x0;
	s7 =	sadd.s32 $0x1, s5  }
.LBB1_4:
0xe: {  	s19 =	sshrl.u32 s13, $0x3  }
0xf: {  	s20 =	sshll.u32 s12, $0x3;
	s19 =	smul.u32 $0x3400, s19  }
0x10: {  	s29 =	sshll.u32 s13, $0x7;
	s20 =	sand.u32 $0xFFFFFC00, s20  }
0x11: {  	v5 =	vld [tilespmem:s17+$0xFFFFFFD0];
	[tilespmem:s16+$0x2040 ss:$0x81] =	vst.msk $0xffff, v4;
	s13 =	sand.u32 $0x380, s29;
	s19 =	sadd.s32 s20, s19  }
0x12: {  	v58 =	vld [tilespmem:s17+$0xFFFFFFE0];
	[tilespmem:s16+$0x2850 ss:$0x81] =	vst.msk $0xffff, v3;
	s30 =	sand.u32 $0x7F, s12;
	s13 =	sor.u32 s13, s19  }
0x13: {  	s18 =	sshra.s32 s18, $0x2;
	v59 =	vld [tilespmem:s17+$0xFFFFFFF0];
	[tilespmem:s16+$0x3060 ss:$0x81] =	vst.msk $0xffff, v2;
	s12 =	sor.u32 s30, s13  }
0x14: {  	v60 =	vld [tilespmem:s17+$0x0];
	[tilespmem:s16+$0x0 ss:$0x81] =	vst.msk $0xffff, v0;
	s15 =	sadd.s32 s18, s15;
	s31 =	smulhi.u32 $0x4EC4EC4F, s12  }
0x15: {  	v61 =	vld [tilespmem:s17+$0x10];
	[tilespmem:s15+$0x3870 ss:$0x81] =	vst.msk $0xffff, v1  }
0x16: {  	v62 =	vld [tilespmem:s17+$0x20];
	[tilespmem:s15+$0x810 ss:$0x81] =	vst.msk $0xffff, v5;
	s13 =	smulhi.u32 $0x4EC4EC4F, s13;
	s16 =	sshrl.u32 s31, $0x9  }
0x17: {  	v63 =	vld [tilespmem:s17+$0xFFFFFFC0];
	[tilespmem:s15+$0x1020 ss:$0x81] =	vst.msk $0xffff, v58;
	s16 =	smul.u32 $0x680, s16  }
0x18: {  	[tilespmem:s15+$0x1830 ss:$0x81] =	vst.msk $0xffff, v59;
	s13 =	sshrl.u32 s13, $0x9  }
0x19: {  	[tilespmem:s15+$0x2040 ss:$0x81] =	vst.msk $0xffff, v60;
	s13 =	sand.u32 $0x3FFF, s13;
	s12 =	ssub.s32 s12, s16  }
0x1a: {  	[tilespmem:s15+$0x2850 ss:$0x81] =	vst.msk $0xffff, v61;
	s13 =	smul.u32 $0xD0, s13;
	s16 =	sshrl.u32 s12, $0x3;
	s12 =	sand.u32 $0x7, s12  }
0x1b: {  	[tilespmem:s15+$0x3060 ss:$0x81] =	vst.msk $0xffff, v62;
	s16 =	sadd.s32 s3, s16;
	s12 =	sshll.u32 s12, $0x12  }
0x1c: {  	[tilespmem:s15+$0x0 ss:$0x81] =	vst.msk $0xffff, v63;
	s13 =	sadd.s32 s13, s16;
	s12 =	sor.u32 $0x400, s12  }
0x1d: {  	[hbm4b:s13+s12] =	stream.strided.scatter [tilespmem:s14], [sflag:$0x2], $0x4000, s8, s12, $0x20;
	[tilespmem:$0x10100] =	vst v63  }
.LBB1_5:
0x1e: {  	s14 =	sadd.s32 $0x1000, s9  }
0x1f: {  	s12 =	sadd.s32 $0x80, s10;
	s16 =	smov.u32 s10;
	p2 =	sgt.s32 s14, $0x3FFF  }
0x20: {  	s16 =	smov.u32 @p2 s12  }
0x21: {  	s14 =	smov.u32 @p2 s2;
	p2 =	sgt.s32 s16, $0x67F  }
0x22: {  	s16 =	simm.s32 @p2 $0x0;
	p2 =	sne.s32 s11, s7  }
.Ltmp1:
0x23: {  	p1 =	slt.u32 s11, $0x2;
	(pc) =	sbr.rel @!p2 .LBB1_6-.Ltmp1, $4  }
0x24: {  	s15 =	simm.s32 @!p1 $0x2  }
0x25: {  	s13 =	smov.u32 s9;
	p0 =	por !p0, !p0;
	_ =	swait.ge @!p1 [sflag:s15], $0x4000  }
0x26: {  	s12 =	smov.u32 s10;
	[sflag:s15] =	ssyncset.done @!p1 $0x0;
	s9 =	smov.u32 s14  }
0x27: {  	s11 =	sadd.s32 $0x1, s11;
	[sflag:s15] =	ssyncadd.s32 @!p1 $0xFFFFC000;
	s10 =	smov.u32 s16  }
.LBB1_1:
0x28: {  	p1 =	sge.u32 s11, s5  }
0x29: {  	s14 =	sshll.u32 @!p1 s10, $0xE  }
0x2a: {  	s15 =	sshll.u32 @!p1 s9, $0x3;
	s14 =	sand.u32 @!p1 $0xFFFE0000, s14  }
0x2b: {  	s14 =	sadd.s32 @!p1 s14, s15  }
0x2c: {  	s16 =	sshll.u32 @!p1 s10, $0x7;
	s14 =	sshrl.u32 @!p1 s14, $0xE  }
0x2d: {  	s17 =	sand.u32 @!p1 $0x78, s9;
	s16 =	sand.u32 @!p1 $0x380, s16;
	s18 =	smulhi.u32 @!p1 $0x276277, s14  }
0x2e: {  	s31 =	sadd.s32 $0xFFFFFFFF, s11;
	s16 =	sor.u32 @!p1 s16, s17  }
0x2f: {  	s17 =	sxor.u32 @!p1 $0xFFFFFFFF, s11;
	s15 =	sand.u32 @!p1 $0x3C00, s15;
	s18 =	smul.u32 @!p1 $0x680, s18  }
0x30: {  	s17 =	sshll.u32 @!p1 s17, $0xE;
	s15 =	sor.u32 @!p1 s15, s16;
	s16 =	sand.u32 @!p1 $0x7, s9  }
0x31: {  	s17 =	sand.u32 @!p1 $0x4000, s17;
	s15 =	sshrl.u32 @!p1 s15, $0x3;
	s14 =	ssub.s32 @!p1 s14, s18  }
0x32: {  	s16 =	sshll.u32 @!p1 s16, $0x12;
	s15 =	sadd.s32 @!p1 s6, s15;
	s14 =	sshll.u32 @!p1 s14, $0xB  }
0x33: {  	s14 =	sadd.s32 @!p1 s14, s15;
	s15 =	sor.u32 @!p1 $0x400, s16;
	s16 =	simm.s32 @!p1 $0x20000  }
0x34: {  	[tilespmem:s17], [sflag:$0x1] =	stream.strided.gather @!p1 [hbm4b:s14+s15], $0x4000, s16, s15, $0x38;
	[tilespmem:$0x10100] =	vst v63  }
0x35: {  	p1 =	sge.u32 s31, s5  }
.Ltmp2:
0x36: {  	_ = 	snop;
	(pc) =	sbr.rel @p1 .LBB1_5-.Ltmp2, $1  }
0x37: {  	_ =	sdelay $0x3  }
0x38: {  	s14 =	simm.s32 $0x1  }
0x39: {  	_ =	swait.ge [sflag:s4], $0x4000;
	s14 =	simm.s32 @!p0 $0x0  }
0x3a: {  	[sflag:s4] =	ssyncset.done $0x0;
	s15 =	sshll.u32 s14, $0xE  }
0x3b: {  	[sflag:s4] =	ssyncadd.s32 $0xFFFFC000;
	s17 =	sor.u32 $0x40, s15  }
0x3c: {  	s14 =	smul.u32 $0x10200, s14;
	v0 =	vld [tilespmem:s17+$0x30]  }
0x3d: {  	v1 =	vld [tilespmem:s17+$0xFFFFFFD0]  }
0x3e: {  	s14 =	sshrl.u32 s14, $0x2;
	v5 =	vld [tilespmem:s17+$0xFFFFFFE0]  }
0x3f: {  	v6 =	vld [tilespmem:s17+$0xFFFFFFF0];
	s15 =	sor.u32 $0x8000, s14  }
0x40: {  	s31 =	sand.u32 $0x1, s11;
	v4 =	vld [tilespmem:s17+$0x0];
	s16 =	sadd.s32 $0x0, s15  }
0x41: {  	v3 =	vld [tilespmem:s17+$0x10];
	s14 =	smul.u32 $0x10200, s31;
	[tilespmem:s16+$0x3870 ss:$0x81] =	vst.msk $0xffff, v0  }
0x42: {  	v2 =	vld [tilespmem:s17+$0x20];
	[tilespmem:s16+$0x810 ss:$0x81] =	vst.msk $0xffff, v1  }
0x43: {  	s14 =	sshrl.u32 s14, $0x2;
	v0 =	vld [tilespmem:s17+$0xFFFFFFC0];
	[tilespmem:s16+$0x1020 ss:$0x81] =	vst.msk $0xffff, v5;
	s17 =	sadd.s32 $0x80, s17  }
0x44: {  	s18 =	simm.s32 $0x4;
	s19 =	simm.s32 $0x8;
	s14 =	sor.u32 $0x8000, s14;
	[tilespmem:s16+$0x1830 ss:$0x81] =	vst.msk $0xffff, v6;
	v1 =	vld [tilespmem:s17+$0x30]  }
.LBB1_3:
0x45: {  	p1 =	sne.s32 s19, $0x1FC;
	v5 =	vld [tilespmem:s17+$0xFFFFFFD0];
	[tilespmem:s16+$0x2040 ss:$0x81] =	vst.msk $0xffff, v4  }
0x46: {  	v6 =	vld [tilespmem:s17+$0xFFFFFFE0];
	[tilespmem:s16+$0x2850 ss:$0x81] =	vst.msk $0xffff, v3  }
0x47: {  	s20 =	sshra.s32 s18, $0x2;
	s18 =	smov.u32 s19;
	v7 =	vld [tilespmem:s17+$0xFFFFFFF0];
	[tilespmem:s16+$0x3060 ss:$0x81] =	vst.msk $0xffff, v2  }
.Ltmp3:
0x48: {  	v4 =	vld [tilespmem:s17+$0x0];
	[tilespmem:s16+$0x0 ss:$0x81] =	vst.msk $0xffff, v0;
	s16 =	sadd.s32 s20, s15;
	(pc) =	sbr.rel @p1 .LBB1_3-.Ltmp3, $4  }
0x49: {  	v3 =	vld [tilespmem:s17+$0x10];
	[tilespmem:s16+$0x3870 ss:$0x81] =	vst.msk $0xffff, v1  }
0x4a: {  	[tilespmem:s16+$0x810 ss:$0x81] =	vst.msk $0xffff, v5;
	v2 =	vld [tilespmem:s17+$0x20]  }
0x4b: {  	v0 =	vld [tilespmem:s17+$0xFFFFFFC0];
	[tilespmem:s16+$0x1020 ss:$0x81] =	vst.msk $0xffff, v6;
	s17 =	sadd.s32 $0x80, s17  }
0x4c: {  	s19 =	sadd.s32 $0x4, s19;
	v1 =	vld [tilespmem:s17+$0x30];
	[tilespmem:s16+$0x1830 ss:$0x81] =	vst.msk $0xffff, v7  }
.Ltmp4:
0x4d: {  	_ = 	snop;
	(pc) =	sbr.rel .LBB1_4-.Ltmp4, $1  }
0x4e: {  	_ =	sdelay $0x3  }
.LBB1_6:
0x4f: {  	_ =	sfence.sel $0x180000  }
0x50: {  	s2 =	simm.s32 $0x1;
	[bflag:$0x0] =	sbarrier.arrive $0xFFFF  }
0x51: {  	s31 =	simm.s32 $0x2;
	[sflag:s2] =	ssyncpa.u1 $0x1  }
0x52: {  	[sflag:s31] =	ssyncpa.u1 $0x1  }
0x53: {  	p0 =	sne.s32 s0, $0x0;
	_ =	strace $0x9000004A  }
0x54: {  	s0 =	sadd.s32 @!p0 $0x100000, s1;
	[bflag:$0x2] =	sbarrier.arrive $0xFFFF  }
0x55: {  	[sflag:s0] =	ssyncadd.tile.s32 @!p0 $0x1;
	_ =	shalt  }
.Lfunc_end1:
_tile_overlayer_lowered:
.L_overlay_start_2:
0x56: {  	(tag) =	ssettag $0x2  }
0x57: {  	s0 =	rddreg [dreg:$0x0];
	s2 =	stileid.u32  }
0x58: {  	s1 =	rddreg [dreg:$0x1];
	p0 =	sne.s32 s2, $0x0  }
0x59: {  	s3 =	rddreg [dreg:$0x2];
	[bflag:$0x3] =	sbarrier.arrive $0xFFFF;
	s2 =	simm.s32 @!p0 $0x1C01  }
0x5a: {  	[timem:s3], [sflag:s2] =	dma.local @!p0 [hbm:s0], s1  }
0x5b: {  	s0 =	simm.s32 @!p0 $0x1  }
0x5c: {  	_ =	swait.ge @!p0 [sflag:s0], s1  }
0x5d: {  	s1 =	ssub.s32 @!p0 $0x0, s1;
	[sflag:s0] =	ssyncset.done @!p0 $0x0  }
0x5e: {  	[sflag:s0] =	ssyncadd.s32 @!p0 s1  }
0x5f: {  	[bflag:$0x3] =	sbarrier.arrive $0xFFFF  }
0x60: {  	_ =	shalt  }

</sc_bundles>
